<compile_context>
chip_gen: v7x
topology: tpu7x:2x2x1
jax: 0.10.2.dev20260603
libtpu: 0.0.44.dev20260713+nightly
codegen_flags: <defaults>
</compile_context>

<pallas_src>
import functools

import jax
import jax.numpy as jnp
from jax import lax
from jax.experimental import pallas as pl
from jax.experimental.pallas import tpu as pltpu
from jax.experimental.pallas import tpu_sc as plsc

B = 4096
N_AGENTS = 8
INP = 256
HID = 512
ROLE = 64
NROLES = 512
STATE = 256
M = B * N_AGENTS

ROWS = 4096


def _fused_body(x_ref, w0_ref, b0_ref, w1_ref, b1_ref, w2_ref, b2_ref,
                c_ref, w3_ref, b3_ref, w4_ref, b4_ref, w5_ref, b5_ref,
                rec_ref, ze_ref, idx_ref):
    x = x_ref[...]
    h = jnp.maximum(jnp.dot(x, w0_ref[...]) + b0_ref[...], 0.0)
    h = jnp.maximum(jnp.dot(h, w1_ref[...]) + b1_ref[...], 0.0)
    ze = jnp.dot(h, w2_ref[...]) + b2_ref[...]
    ze_ref[...] = ze

    c = c_ref[...]
    d = (jnp.sum(ze * ze, axis=1, keepdims=True)
         - 2.0 * jnp.dot(ze, c.T)
         + jnp.sum(c * c, axis=1)[None, :])
    idx = jnp.argmin(d, axis=1).astype(jnp.int32)
    idx_ref[...] = idx.reshape(1, ROWS)
    onehot = (idx[:, None] == lax.broadcasted_iota(jnp.int32, (ROWS, NROLES), 1)
              ).astype(jnp.float32)
    zq = jnp.dot(onehot, c)

    r1 = jnp.maximum(
        jnp.dot(zq.astype(jnp.bfloat16), w3_ref[...].astype(jnp.bfloat16),
                preferred_element_type=jnp.float32) + b3_ref[...], 0.0)
    r1w = r1.reshape(ROWS // N_AGENTS, N_AGENTS * HID)
    h4 = jnp.maximum(jnp.dot(r1w, w4_ref[...]) + b4_ref[...], 0.0)
    rec_ref[...] = jnp.dot(h4, w5_ref[...]) + b5_ref[...]


def _full(shape):
    return pl.BlockSpec(shape, lambda i: (0,) * len(shape))


_SC_NC = 2
_SC_NS = 16
_SC_CHUNK = M // (_SC_NC * _SC_NS)


@functools.partial(
    pl.kernel,
    mesh=plsc.VectorSubcoreMesh(core_axis_name="c", subcore_axis_name="s"),
    out_type=jax.ShapeDtypeStruct((M, 2 * ROLE), jnp.float32),
    scratch_types=[
        pltpu.VMEM((_SC_CHUNK // 2,), jnp.int32),
        pltpu.VMEM((_SC_CHUNK // 2, 2 * ROLE), jnp.float32),
        pltpu.SemaphoreType.DMA,
    ],
)
def _sc_role_gather(table_hbm, idx_hbm, out_hbm, idx_v, rows_v, sem):
    wid = lax.axis_index("s") * _SC_NC + lax.axis_index("c")
    half = _SC_CHUNK // 2
    for r in range(2):
        base = wid * _SC_CHUNK + r * half
        pltpu.sync_copy(idx_hbm.at[pl.ds(base, half)], idx_v)
        pltpu.async_copy(table_hbm.at[idx_v], rows_v, sem).wait()
        pltpu.sync_copy(rows_v, out_hbm.at[pl.ds(base, half)])


def kernel(inputs, W0, b0, W1, b1, W2, b2, codebook, W3, b3, W4, b4, W5, b5):
    grid = (M // ROWS,)
    rec, ze, idx = pl.pallas_call(
        _fused_body,
        grid=grid,
        in_specs=[
            pl.BlockSpec((ROWS, INP), lambda i: (i, 0)),
            _full((INP, HID)), _full((1, HID)),
            _full((HID, HID)), _full((1, HID)),
            _full((HID, ROLE)), _full((1, ROLE)),
            _full((NROLES, ROLE)),
            _full((ROLE, HID)), _full((1, HID)),
            _full((N_AGENTS * HID, HID)), _full((1, HID)),
            _full((HID, STATE)), _full((1, STATE)),
        ],
        out_specs=[
            pl.BlockSpec((ROWS // N_AGENTS, STATE), lambda i: (i, 0)),
            pl.BlockSpec((ROWS, ROLE), lambda i: (i, 0)),
            pl.BlockSpec((1, ROWS), lambda i: (0, i)),
        ],
        out_shape=[
            jax.ShapeDtypeStruct((M // N_AGENTS, STATE), jnp.float32),
            jax.ShapeDtypeStruct((M, ROLE), jnp.float32),
            jax.ShapeDtypeStruct((1, M), jnp.int32),
        ],
    )(
        inputs,
        W0, b0.reshape(1, HID),
        W1, b1.reshape(1, HID),
        W2, b2.reshape(1, ROLE),
        codebook,
        W3, b3.reshape(1, HID),
        W4, b4.reshape(1, HID),
        W5, b5.reshape(1, STATE),
    )
    table = jnp.pad(codebook, ((0, 0), (0, ROLE)))
    role_emb = _sc_role_gather(table, idx.reshape(M))[:, :ROLE]
    return rec, ze, role_emb

# --- scband reference (transcript-rebuilt; emitter-appended) ---
"""Pipeline reference for scband-vqvae-37245956391381 (READ-ONLY COPY).

The authoritative reference and input builder live on the scoring server;
editing this copy changes nothing except your own understanding.
"""

import jax, jax.numpy as jnp
import numpy as np

B = 4096
N_AGENTS = 8
INP = 256
HID = 512
ROLE = 64
NROLES = 512
STATE = 256


def _linear_params(key, fan_in, fan_out):
    k1, k2 = jax.random.split(key)
    s = 1.0 / np.sqrt(fan_in)
    W = jax.random.uniform(k1, (fan_in, fan_out), minval=-s, maxval=s, dtype=jnp.float32)
    b = jax.random.uniform(k2, (fan_out,), minval=-s, maxval=s, dtype=jnp.float32)
    return W, b


def setup_inputs(seed: int = 0) -> dict:
    key = jax.random.key(seed)
    ks = jax.random.split(key, 8)
    inputs = jax.random.normal(ks[0], (B * N_AGENTS, INP), dtype=jnp.float32)
    W0, b0 = _linear_params(ks[1], INP, HID)
    W1, b1 = _linear_params(ks[2], HID, HID)
    W2, b2 = _linear_params(ks[3], HID, ROLE)
    codebook = jax.random.normal(ks[4], (NROLES, ROLE), dtype=jnp.float32)
    W3, b3 = _linear_params(ks[5], ROLE, HID)
    W4, b4 = _linear_params(ks[6], N_AGENTS * HID, HID)
    W5, b5 = _linear_params(ks[7], HID, STATE)
    return {"inputs": inputs, "W0": W0, "b0": b0, "W1": W1, "b1": b1,
            "W2": W2, "b2": b2, "codebook": codebook, "W3": W3, "b3": b3,
            "W4": W4, "b4": b4, "W5": W5, "b5": b5}


def _nearest(z, C):
    # squared L2 distance to every codebook row, argmin over codebook
    d = jnp.sum(z * z, axis=1, keepdims=True) - 2.0 * (z @ C.T) + jnp.sum(C * C, axis=1)[None, :]
    idx = jnp.argmin(d, axis=1)
    return jnp.take(C, idx, axis=0), idx


def reference(inputs, W0, b0, W1, b1, W2, b2, codebook, W3, b3, W4, b4, W5, b5):
    # encode
    h = jax.nn.relu(inputs @ W0 + b0)
    h = jax.nn.relu(h @ W1 + b1)
    z_e = h @ W2 + b2
    # emb(z_e, weight_sg=True): straight-through to input, no grad to codebook
    zq_raw, idx = _nearest(z_e, codebook)
    z_q = z_e + jax.lax.stop_gradient(zq_raw - z_e)
    # emb(z_e.detach()): grad flows to codebook only
    idx2 = jnp.argmin(
        jnp.sum(jax.lax.stop_gradient(z_e) ** 2, axis=1, keepdims=True)
        - 2.0 * (jax.lax.stop_gradient(z_e) @ codebook.T)
        + jnp.sum(codebook * codebook, axis=1)[None, :], axis=1)
    role_emb = jnp.take(codebook, idx2, axis=0)
    # decode
    rec = jax.nn.relu(z_q @ W3 + b3).reshape(-1, N_AGENTS * HID)
    rec = jax.nn.relu(rec @ W4 + b4) @ W5 + b5
    return rec, z_e, role_emb

if __name__ == "__main__":
    import jax
    _d = setup_inputs()
    print(jax.jit(kernel)(*tuple(_d.values())))

</pallas_src>

<mosaic_0001>
#map = affine_map<(d0, d1) -> (0, 0)>
#map1 = affine_map<(d0, d1) -> (0)>
module attributes {stable_mosaic.version = 14 : i64} {
  func.func @_sc_role_gather(%arg0: i32, %arg1: i32, %arg2: memref<512x128xf32, #tpu.memory_space<hbm>>, %arg3: memref<32768xi32, #tpu.memory_space<hbm>>, %arg4: memref<32768x128xf32, #tpu.memory_space<hbm>>, %arg5: memref<512xi32, #tpu.memory_space<vmem>>, %arg6: memref<512x128xf32, #tpu.memory_space<vmem>>, %arg7: memref<!tpu.dma_semaphore, #tpu.memory_space<semaphore_mem>>) attributes {dimension_semantics = [#tpu.dimension_semantics<core_parallel>, #tpu.dimension_semantics<subcore_parallel>], iteration_bounds = array<i64: 2, 16>, scalar_prefetch = 0 : i64, scratch_operands = 3 : i64, tpu.core_type = #tpu.core_type<sc_vector_subcore>, window_params = [{transform_indices = #map}, {transform_indices = #map1}, {transform_indices = #map}]} {
    %mul3A = arith.constant 2 : i32
    %mul3A_0 = arith.muli %arg1, %mul3A : i32
    %add3A = arith.addi %mul3A_0, %arg0 : i32
    %mul3A_1 = arith.constant 1024 : i32
    %mul3A_2 = arith.muli %add3A, %mul3A_1 : i32
    %add3A_3 = arith.constant 0 : i32
    %add3A_4 = arith.addi %mul3A_2, %add3A_3 : i32
    "tpu.region"() ({
      %run_scoped3A = tpu.sem_alloc : memref<!tpu.dma_semaphore, #tpu.memory_space<semaphore_mem>>
      %dma_start3A_19 = tpu.memref_slice %arg3[%add3A_4] : memref<32768xi32, #tpu.memory_space<hbm>> -> memref<512xi32, #tpu.memory_space<hbm>>
      %dma_start3A_20 = tpu.memref_slice %arg3[%add3A_4] : memref<32768xi32, #tpu.memory_space<hbm>> -> memref<512xi32, #tpu.memory_space<hbm>>
      tpu.enqueue_dma source(%dma_start3A_20 : memref<512xi32, #tpu.memory_space<hbm>>) target(%arg5 : memref<512xi32, #tpu.memory_space<vmem>>) target_semaphore(%run_scoped3A : memref<!tpu.dma_semaphore, #tpu.memory_space<semaphore_mem>>)
      %dma_wait3A_21 = tpu.memref_slice %arg3[%add3A_4] : memref<32768xi32, #tpu.memory_space<hbm>> -> memref<512xi32, #tpu.memory_space<hbm>>
      %dma_wait3A_22 = tpu.memref_slice %arg3[%add3A_4] : memref<32768xi32, #tpu.memory_space<hbm>> -> memref<512xi32, #tpu.memory_space<hbm>>
      tpu.wait_dma2 semaphore(%run_scoped3A : memref<!tpu.dma_semaphore, #tpu.memory_space<semaphore_mem>>) src(%dma_wait3A_22 : memref<512xi32, #tpu.memory_space<hbm>>) dst(%arg5 : memref<512xi32, #tpu.memory_space<vmem>>)
      tpu.yield
    }) : () -> ()
    %dma_start3A = arith.constant 0 : i32
    %dma_start3A_5 = arith.constant 0 : i32
    %dma_start3A_6 = tpu.memref_slice %arg2[%dma_start3A, %dma_start3A_5] : memref<512x128xf32, #tpu.memory_space<hbm>> -> memref<512x128xf32, #tpu.memory_space<hbm>>
    tpu.enqueue_indirect_dma source(%dma_start3A_6 : memref<512x128xf32, #tpu.memory_space<hbm>>) target(%arg6 : memref<512x128xf32, #tpu.memory_space<vmem>>) offsets(%arg5 : memref<512xi32, #tpu.memory_space<vmem>>) semaphore(%arg7 : memref<!tpu.dma_semaphore, #tpu.memory_space<semaphore_mem>>)
    %dma_wait3A = arith.constant 0 : i32
    %dma_wait3A_7 = arith.constant 0 : i32
    %dma_wait3A_8 = tpu.memref_slice %arg2[%dma_wait3A, %dma_wait3A_7] : memref<512x128xf32, #tpu.memory_space<hbm>> -> memref<512x128xf32, #tpu.memory_space<hbm>>
    tpu.wait_indirect_dma semaphore(%arg7 : memref<!tpu.dma_semaphore, #tpu.memory_space<semaphore_mem>>) src(%dma_wait3A_8 : memref<512x128xf32, #tpu.memory_space<hbm>>) dst(%arg6 : memref<512x128xf32, #tpu.memory_space<vmem>>)
    "tpu.region"() ({
      %run_scoped3A = tpu.sem_alloc : memref<!tpu.dma_semaphore, #tpu.memory_space<semaphore_mem>>
      %dma_start3A_19 = arith.constant 0 : i32
      %dma_start3A_20 = tpu.memref_slice %arg4[%add3A_4, %dma_start3A_19] : memref<32768x128xf32, #tpu.memory_space<hbm>> -> memref<512x128xf32, #tpu.memory_space<hbm>>
      %dma_start3A_21 = arith.constant 0 : i32
      %dma_start3A_22 = tpu.memref_slice %arg4[%add3A_4, %dma_start3A_21] : memref<32768x128xf32, #tpu.memory_space<hbm>> -> memref<512x128xf32, #tpu.memory_space<hbm>>
      tpu.enqueue_dma source(%arg6 : memref<512x128xf32, #tpu.memory_space<vmem>>) target(%dma_start3A_22 : memref<512x128xf32, #tpu.memory_space<hbm>>) target_semaphore(%run_scoped3A : memref<!tpu.dma_semaphore, #tpu.memory_space<semaphore_mem>>)
      %dma_wait3A_23 = arith.constant 0 : i32
      %dma_wait3A_24 = tpu.memref_slice %arg4[%add3A_4, %dma_wait3A_23] : memref<32768x128xf32, #tpu.memory_space<hbm>> -> memref<512x128xf32, #tpu.memory_space<hbm>>
      %dma_wait3A_25 = arith.constant 0 : i32
      %dma_wait3A_26 = tpu.memref_slice %arg4[%add3A_4, %dma_wait3A_25] : memref<32768x128xf32, #tpu.memory_space<hbm>> -> memref<512x128xf32, #tpu.memory_space<hbm>>
      tpu.wait_dma2 semaphore(%run_scoped3A : memref<!tpu.dma_semaphore, #tpu.memory_space<semaphore_mem>>) src(%arg6 : memref<512x128xf32, #tpu.memory_space<vmem>>) dst(%dma_wait3A_26 : memref<512x128xf32, #tpu.memory_space<hbm>>)
      tpu.yield
    }) : () -> ()
    %mul3A_9 = arith.constant 1024 : i32
    %mul3A_10 = arith.muli %add3A, %mul3A_9 : i32
    %add3A_11 = arith.constant 512 : i32
    %add3A_12 = arith.addi %mul3A_10, %add3A_11 : i32
    "tpu.region"() ({
      %run_scoped3A = tpu.sem_alloc : memref<!tpu.dma_semaphore, #tpu.memory_space<semaphore_mem>>
      %dma_start3A_19 = tpu.memref_slice %arg3[%add3A_12] : memref<32768xi32, #tpu.memory_space<hbm>> -> memref<512xi32, #tpu.memory_space<hbm>>
      %dma_start3A_20 = tpu.memref_slice %arg3[%add3A_12] : memref<32768xi32, #tpu.memory_space<hbm>> -> memref<512xi32, #tpu.memory_space<hbm>>
      tpu.enqueue_dma source(%dma_start3A_20 : memref<512xi32, #tpu.memory_space<hbm>>) target(%arg5 : memref<512xi32, #tpu.memory_space<vmem>>) target_semaphore(%run_scoped3A : memref<!tpu.dma_semaphore, #tpu.memory_space<semaphore_mem>>)
      %dma_wait3A_21 = tpu.memref_slice %arg3[%add3A_12] : memref<32768xi32, #tpu.memory_space<hbm>> -> memref<512xi32, #tpu.memory_space<hbm>>
      %dma_wait3A_22 = tpu.memref_slice %arg3[%add3A_12] : memref<32768xi32, #tpu.memory_space<hbm>> -> memref<512xi32, #tpu.memory_space<hbm>>
      tpu.wait_dma2 semaphore(%run_scoped3A : memref<!tpu.dma_semaphore, #tpu.memory_space<semaphore_mem>>) src(%dma_wait3A_22 : memref<512xi32, #tpu.memory_space<hbm>>) dst(%arg5 : memref<512xi32, #tpu.memory_space<vmem>>)
      tpu.yield
    }) : () -> ()
    %dma_start3A_13 = arith.constant 0 : i32
    %dma_start3A_14 = arith.constant 0 : i32
    %dma_start3A_15 = tpu.memref_slice %arg2[%dma_start3A_13, %dma_start3A_14] : memref<512x128xf32, #tpu.memory_space<hbm>> -> memref<512x128xf32, #tpu.memory_space<hbm>>
    tpu.enqueue_indirect_dma source(%dma_start3A_15 : memref<512x128xf32, #tpu.memory_space<hbm>>) target(%arg6 : memref<512x128xf32, #tpu.memory_space<vmem>>) offsets(%arg5 : memref<512xi32, #tpu.memory_space<vmem>>) semaphore(%arg7 : memref<!tpu.dma_semaphore, #tpu.memory_space<semaphore_mem>>)
    %dma_wait3A_16 = arith.constant 0 : i32
    %dma_wait3A_17 = arith.constant 0 : i32
    %dma_wait3A_18 = tpu.memref_slice %arg2[%dma_wait3A_16, %dma_wait3A_17] : memref<512x128xf32, #tpu.memory_space<hbm>> -> memref<512x128xf32, #tpu.memory_space<hbm>>
    tpu.wait_indirect_dma semaphore(%arg7 : memref<!tpu.dma_semaphore, #tpu.memory_space<semaphore_mem>>) src(%dma_wait3A_18 : memref<512x128xf32, #tpu.memory_space<hbm>>) dst(%arg6 : memref<512x128xf32, #tpu.memory_space<vmem>>)
    "tpu.region"() ({
      %run_scoped3A = tpu.sem_alloc : memref<!tpu.dma_semaphore, #tpu.memory_space<semaphore_mem>>
      %dma_start3A_19 = arith.constant 0 : i32
      %dma_start3A_20 = tpu.memref_slice %arg4[%add3A_12, %dma_start3A_19] : memref<32768x128xf32, #tpu.memory_space<hbm>> -> memref<512x128xf32, #tpu.memory_space<hbm>>
      %dma_start3A_21 = arith.constant 0 : i32
      %dma_start3A_22 = tpu.memref_slice %arg4[%add3A_12, %dma_start3A_21] : memref<32768x128xf32, #tpu.memory_space<hbm>> -> memref<512x128xf32, #tpu.memory_space<hbm>>
      tpu.enqueue_dma source(%arg6 : memref<512x128xf32, #tpu.memory_space<vmem>>) target(%dma_start3A_22 : memref<512x128xf32, #tpu.memory_space<hbm>>) target_semaphore(%run_scoped3A : memref<!tpu.dma_semaphore, #tpu.memory_space<semaphore_mem>>)
      %dma_wait3A_23 = arith.constant 0 : i32
      %dma_wait3A_24 = tpu.memref_slice %arg4[%add3A_12, %dma_wait3A_23] : memref<32768x128xf32, #tpu.memory_space<hbm>> -> memref<512x128xf32, #tpu.memory_space<hbm>>
      %dma_wait3A_25 = arith.constant 0 : i32
      %dma_wait3A_26 = tpu.memref_slice %arg4[%add3A_12, %dma_wait3A_25] : memref<32768x128xf32, #tpu.memory_space<hbm>> -> memref<512x128xf32, #tpu.memory_space<hbm>>
      tpu.wait_dma2 semaphore(%run_scoped3A : memref<!tpu.dma_semaphore, #tpu.memory_space<semaphore_mem>>) src(%arg6 : memref<512x128xf32, #tpu.memory_space<vmem>>) dst(%dma_wait3A_26 : memref<512x128xf32, #tpu.memory_space<hbm>>)
      tpu.yield
    }) : () -> ()
    return
  }
}

module attributes {stable_mosaic.version = 14 : i64} {
  func.func @_fused_body(%arg0: i32, %arg1: memref<4096x256xf32, #tpu.memory_space<vmem>>, %arg2: memref<256x512xf32, #tpu.memory_space<vmem>>, %arg3: memref<1x512xf32, #tpu.memory_space<vmem>>, %arg4: memref<512x512xf32, #tpu.memory_space<vmem>>, %arg5: memref<1x512xf32, #tpu.memory_space<vmem>>, %arg6: memref<512x64xf32, #tpu.memory_space<vmem>>, %arg7: memref<1x64xf32, #tpu.memory_space<vmem>>, %arg8: memref<512x64xf32, #tpu.memory_space<vmem>>, %arg9: memref<64x512xf32, #tpu.memory_space<vmem>>, %arg10: memref<1x512xf32, #tpu.memory_space<vmem>>, %arg11: memref<4096x512xf32, #tpu.memory_space<vmem>>, %arg12: memref<1x512xf32, #tpu.memory_space<vmem>>, %arg13: memref<512x256xf32, #tpu.memory_space<vmem>>, %arg14: memref<1x256xf32, #tpu.memory_space<vmem>>, %arg15: memref<512x256xf32, #tpu.memory_space<vmem>>, %arg16: memref<4096x64xf32, #tpu.memory_space<vmem>>, %arg17: memref<1x4096xi32, #tpu.memory_space<vmem>>) attributes {dimension_semantics = [#tpu.dimension_semantics<arbitrary>], iteration_bounds = array<i64: 8>, scalar_prefetch = 0 : i64, scratch_operands = 0 : i64, tpu.core_type = #tpu.core_type<tc>, window_params = [{transform_indices = @transform_0, window_bounds = array<i64: 4096, 256>}, {pipeline_mode = #tpu.pipeline_mode<synchronous>, transform_indices = @transform_1, window_bounds = array<i64: 256, 512>}, {pipeline_mode = #tpu.pipeline_mode<synchronous>, transform_indices = @transform_2, window_bounds = array<i64: 1, 512>}, {pipeline_mode = #tpu.pipeline_mode<synchronous>, transform_indices = @transform_3, window_bounds = array<i64: 512, 512>}, {pipeline_mode = #tpu.pipeline_mode<synchronous>, transform_indices = @transform_4, window_bounds = array<i64: 1, 512>}, {pipeline_mode = #tpu.pipeline_mode<synchronous>, transform_indices = @transform_5, window_bounds = array<i64: 512, 64>}, {pipeline_mode = #tpu.pipeline_mode<synchronous>, transform_indices = @transform_6, window_bounds = array<i64: 1, 64>}, {pipeline_mode = #tpu.pipeline_mode<synchronous>, transform_indices = @transform_7, window_bounds = array<i64: 512, 64>}, {pipeline_mode = #tpu.pipeline_mode<synchronous>, transform_indices = @transform_8, window_bounds = array<i64: 64, 512>}, {pipeline_mode = #tpu.pipeline_mode<synchronous>, transform_indices = @transform_9, window_bounds = array<i64: 1, 512>}, {pipeline_mode = #tpu.pipeline_mode<synchronous>, transform_indices = @transform_10, window_bounds = array<i64: 4096, 512>}, {pipeline_mode = #tpu.pipeline_mode<synchronous>, transform_indices = @transform_11, window_bounds = array<i64: 1, 512>}, {pipeline_mode = #tpu.pipeline_mode<synchronous>, transform_indices = @transform_12, window_bounds = array<i64: 512, 256>}, {pipeline_mode = #tpu.pipeline_mode<synchronous>, transform_indices = @transform_13, window_bounds = array<i64: 1, 256>}, {transform_indices = @transform_14, window_bounds = array<i64: 512, 256>}, {transform_indices = @transform_15, window_bounds = array<i64: 4096, 64>}, {transform_indices = @transform_16, window_bounds = array<i64: 1, 4096>}]} {
    %get3A = arith.constant 0 : index
    %get3A_0 = arith.constant 0 : index
    %get3A_1 = vector.load %arg1[%get3A, %get3A_0] : memref<4096x256xf32, #tpu.memory_space<vmem>>, vector<4096x256xf32>
    %get3A_2 = arith.constant 0 : index
    %get3A_3 = arith.constant 0 : index
    %get3A_4 = vector.load %arg2[%get3A_2, %get3A_3] : memref<256x512xf32, #tpu.memory_space<vmem>>, vector<256x512xf32>
    %dot_general3A = arith.constant dense<0.000000e+00> : vector<4096x512xf32>
    %dot_general3A_5 = tpu.matmul %get3A_1, %get3A_4, %dot_general3A {dimension_numbers = #tpu.dot_dimension_numbers<[1], [0], [0], [1], [0, 0, 1, 1], [], []>, transpose_lhs_hint = false} : vector<4096x256xf32>, vector<256x512xf32>, vector<4096x512xf32> -> vector<4096x512xf32>
    %get3A_6 = arith.constant 0 : index
    %get3A_7 = arith.constant 0 : index
    %get3A_8 = vector.load %arg3[%get3A_6, %get3A_7] : memref<1x512xf32, #tpu.memory_space<vmem>>, vector<1x512xf32>
    %add3A = vector.broadcast %get3A_8 : vector<1x512xf32> to vector<4096x512xf32>
    %add3A_9 = arith.addf %dot_general3A_5, %add3A : vector<4096x512xf32>
    %max3A = arith.constant 0.000000e+00 : f32
    %max3A_10 = vector.broadcast %max3A : f32 to vector<4096x512xf32>
    %max3A_11 = arith.maximumf %add3A_9, %max3A_10 : vector<4096x512xf32>
    %get3A_12 = arith.constant 0 : index
    %get3A_13 = arith.constant 0 : index
    %get3A_14 = vector.load %arg4[%get3A_12, %get3A_13] : memref<512x512xf32, #tpu.memory_space<vmem>>, vector<512x512xf32>
    %dot_general3A_15 = arith.constant dense<0.000000e+00> : vector<4096x512xf32>
    %dot_general3A_16 = tpu.matmul %max3A_11, %get3A_14, %dot_general3A_15 {dimension_numbers = #tpu.dot_dimension_numbers<[1], [0], [0], [1], [0, 0, 1, 1], [], []>, transpose_lhs_hint = false} : vector<4096x512xf32>, vector<512x512xf32>, vector<4096x512xf32> -> vector<4096x512xf32>
    %get3A_17 = arith.constant 0 : index
    %get3A_18 = arith.constant 0 : index
    %get3A_19 = vector.load %arg5[%get3A_17, %get3A_18] : memref<1x512xf32, #tpu.memory_space<vmem>>, vector<1x512xf32>
    %add3A_20 = vector.broadcast %get3A_19 : vector<1x512xf32> to vector<4096x512xf32>
    %add3A_21 = arith.addf %dot_general3A_16, %add3A_20 : vector<4096x512xf32>
    %max3A_22 = arith.constant 0.000000e+00 : f32
    %max3A_23 = vector.broadcast %max3A_22 : f32 to vector<4096x512xf32>
    %max3A_24 = arith.maximumf %add3A_21, %max3A_23 : vector<4096x512xf32>
    %get3A_25 = arith.constant 0 : index
    %get3A_26 = arith.constant 0 : index
    %get3A_27 = vector.load %arg6[%get3A_25, %get3A_26] : memref<512x64xf32, #tpu.memory_space<vmem>>, vector<512x64xf32>
    %dot_general3A_28 = arith.constant dense<0.000000e+00> : vector<4096x64xf32>
    %dot_general3A_29 = tpu.matmul %max3A_24, %get3A_27, %dot_general3A_28 {dimension_numbers = #tpu.dot_dimension_numbers<[1], [0], [0], [1], [0, 0, 1, 1], [], []>, transpose_lhs_hint = false} : vector<4096x512xf32>, vector<512x64xf32>, vector<4096x64xf32> -> vector<4096x64xf32>
    %get3A_30 = arith.constant 0 : index
    %get3A_31 = arith.constant 0 : index
    %get3A_32 = vector.load %arg7[%get3A_30, %get3A_31] : memref<1x64xf32, #tpu.memory_space<vmem>>, vector<1x64xf32>
    %add3A_33 = vector.broadcast %get3A_32 : vector<1x64xf32> to vector<4096x64xf32>
    %add3A_34 = arith.addf %dot_general3A_29, %add3A_33 : vector<4096x64xf32>
    %swap3A = arith.constant 0 : index
    %swap3A_35 = arith.constant 0 : index
    %swap3A_36 = vector.load %arg16[%swap3A, %swap3A_35] : memref<4096x64xf32, #tpu.memory_space<vmem>>, vector<4096x64xf32>
    tpu.vector_store %arg16[%swap3A, %swap3A_35], %add3A_34 {strides = array<i32>} : memref<4096x64xf32, #tpu.memory_space<vmem>>, vector<4096x64xf32>,
    %get3A_37 = arith.constant 0 : index
    %get3A_38 = arith.constant 0 : index
    %get3A_39 = vector.load %arg8[%get3A_37, %get3A_38] : memref<512x64xf32, #tpu.memory_space<vmem>>, vector<512x64xf32>
    %mul3A = arith.mulf %add3A_34, %add3A_34 : vector<4096x64xf32>
    %reduce_sum3A = arith.constant dense<0.000000e+00> : vector<4096xf32>
    %reduce_sum3A_40 = vector.multi_reduction <add>, %mul3A, %reduce_sum3A [1] : vector<4096x64xf32> to vector<4096xf32>
    %broadcast_in_dim3A = vector.shape_cast %reduce_sum3A_40 : vector<4096xf32> to vector<4096x1xf32>
    %transpose3A = tpu.transpose %get3A_39, [1, 0] : vector<512x64xf32> -> vector<64x512xf32>
    %dot_general3A_41 = arith.constant dense<0.000000e+00> : vector<4096x512xf32>
    %dot_general3A_42 = tpu.matmul %add3A_34, %transpose3A, %dot_general3A_41 {dimension_numbers = #tpu.dot_dimension_numbers<[1], [0], [0], [1], [0, 0, 1, 1], [], []>, transpose_lhs_hint = false} : vector<4096x64xf32>, vector<64x512xf32>, vector<4096x512xf32> -> vector<4096x512xf32>
    %mul3A_43 = arith.constant 2.000000e+00 : f32
    %mul3A_44 = vector.broadcast %mul3A_43 : f32 to vector<4096x512xf32>
    %mul3A_45 = arith.mulf %mul3A_44, %dot_general3A_42 : vector<4096x512xf32>
    %sub3A = vector.broadcast %broadcast_in_dim3A : vector<4096x1xf32> to vector<4096x512xf32>
    %sub3A_46 = arith.subf %sub3A, %mul3A_45 : vector<4096x512xf32>
    %mul3A_47 = arith.mulf %get3A_39, %get3A_39 : vector<512x64xf32>
    %reduce_sum3A_48 = arith.constant dense<0.000000e+00> : vector<512xf32>
    %reduce_sum3A_49 = vector.multi_reduction <add>, %mul3A_47, %reduce_sum3A_48 [1] : vector<512x64xf32> to vector<512xf32>
    %broadcast_in_dim3A_50 = vector.shape_cast %reduce_sum3A_49 : vector<512xf32> to vector<1x512xf32>
    %add3A_51 = vector.broadcast %broadcast_in_dim3A_50 : vector<1x512xf32> to vector<4096x512xf32>
    %add3A_52 = arith.addf %sub3A_46, %add3A_51 : vector<4096x512xf32>
    %argmin3A = tpu.reduce_index %add3A_52 {axis = 1 : i32, kind = #tpu.reduction_kind<arg_min>} : vector<4096x512xf32> -> vector<4096xi32>
    %reshape3A = vector.shape_cast %argmin3A : vector<4096xi32> to vector<1x4096xi32>
    %swap3A_53 = arith.constant 0 : index
    %swap3A_54 = arith.constant 0 : index
    %swap3A_55 = vector.load %arg17[%swap3A_53, %swap3A_54] : memref<1x4096xi32, #tpu.memory_space<vmem>>, vector<1x4096xi32>
    tpu.vector_store %arg17[%swap3A_53, %swap3A_54], %reshape3A {strides = array<i32>} : memref<1x4096xi32, #tpu.memory_space<vmem>>, vector<1x4096xi32>,
    %broadcast_in_dim3A_56 = vector.shape_cast %argmin3A : vector<4096xi32> to vector<4096x1xi32>
    %iota3A = tpu.iota {dimensions = array<i32: 1>} : vector<4096x512xi32>
    %eq3A = vector.broadcast %broadcast_in_dim3A_56 : vector<4096x1xi32> to vector<4096x512xi32>
    %eq3A_57 = arith.cmpi eq, %eq3A, %iota3A : vector<4096x512xi32>
    %convert_element_type3A = arith.extui %eq3A_57 : vector<4096x512xi1> to vector<4096x512xi32>
    %convert_element_type3A_58 = arith.sitofp %convert_element_type3A : vector<4096x512xi32> to vector<4096x512xf32>
    %dot_general3A_59 = arith.constant dense<0.000000e+00> : vector<4096x64xf32>
    %dot_general3A_60 = tpu.matmul %convert_element_type3A_58, %get3A_39, %dot_general3A_59 {dimension_numbers = #tpu.dot_dimension_numbers<[1], [0], [0], [1], [0, 0, 1, 1], [], []>, transpose_lhs_hint = false} : vector<4096x512xf32>, vector<512x64xf32>, vector<4096x64xf32> -> vector<4096x64xf32>
    %convert_element_type3A_61 = arith.truncf %dot_general3A_60 : vector<4096x64xf32> to vector<4096x64xbf16>
    %get3A_62 = arith.constant 0 : index
    %get3A_63 = arith.constant 0 : index
    %get3A_64 = vector.load %arg9[%get3A_62, %get3A_63] : memref<64x512xf32, #tpu.memory_space<vmem>>, vector<64x512xf32>
    %convert_element_type3A_65 = arith.truncf %get3A_64 : vector<64x512xf32> to vector<64x512xbf16>
    %dot_general3A_66 = arith.constant dense<0.000000e+00> : vector<4096x512xf32>
    %dot_general3A_67 = tpu.matmul %convert_element_type3A_61, %convert_element_type3A_65, %dot_general3A_66 {dimension_numbers = #tpu.dot_dimension_numbers<[1], [0], [0], [1], [0, 0, 1, 1], [], []>, transpose_lhs_hint = false} : vector<4096x64xbf16>, vector<64x512xbf16>, vector<4096x512xf32> -> vector<4096x512xf32>
    %get3A_68 = arith.constant 0 : index
    %get3A_69 = arith.constant 0 : index
    %get3A_70 = vector.load %arg10[%get3A_68, %get3A_69] : memref<1x512xf32, #tpu.memory_space<vmem>>, vector<1x512xf32>
    %add3A_71 = vector.broadcast %get3A_70 : vector<1x512xf32> to vector<4096x512xf32>
    %add3A_72 = arith.addf %dot_general3A_67, %add3A_71 : vector<4096x512xf32>
    %max3A_73 = arith.constant 0.000000e+00 : f32
    %max3A_74 = vector.broadcast %max3A_73 : f32 to vector<4096x512xf32>
    %max3A_75 = arith.maximumf %add3A_72, %max3A_74 : vector<4096x512xf32>
    %reshape3A_76 = vector.shape_cast %max3A_75 : vector<4096x512xf32> to vector<512x4096xf32>
    %get3A_77 = arith.constant 0 : index
    %get3A_78 = arith.constant 0 : index
    %get3A_79 = vector.load %arg11[%get3A_77, %get3A_78] : memref<4096x512xf32, #tpu.memory_space<vmem>>, vector<4096x512xf32>
    %dot_general3A_80 = arith.constant dense<0.000000e+00> : vector<512x512xf32>
    %dot_general3A_81 = tpu.matmul %reshape3A_76, %get3A_79, %dot_general3A_80 {dimension_numbers = #tpu.dot_dimension_numbers<[1], [0], [0], [1], [0, 0, 1, 1], [], []>, transpose_lhs_hint = false} : vector<512x4096xf32>, vector<4096x512xf32>, vector<512x512xf32> -> vector<512x512xf32>
    %get3A_82 = arith.constant 0 : index
    %get3A_83 = arith.constant 0 : index
    %get3A_84 = vector.load %arg12[%get3A_82, %get3A_83] : memref<1x512xf32, #tpu.memory_space<vmem>>, vector<1x512xf32>
    %add3A_85 = vector.broadcast %get3A_84 : vector<1x512xf32> to vector<512x512xf32>
    %add3A_86 = arith.addf %dot_general3A_81, %add3A_85 : vector<512x512xf32>
    %max3A_87 = arith.constant 0.000000e+00 : f32
    %max3A_88 = vector.broadcast %max3A_87 : f32 to vector<512x512xf32>
    %max3A_89 = arith.maximumf %add3A_86, %max3A_88 : vector<512x512xf32>
    %get3A_90 = arith.constant 0 : index
    %get3A_91 = arith.constant 0 : index
    %get3A_92 = vector.load %arg13[%get3A_90, %get3A_91] : memref<512x256xf32, #tpu.memory_space<vmem>>, vector<512x256xf32>
    %dot_general3A_93 = arith.constant dense<0.000000e+00> : vector<512x256xf32>
    %dot_general3A_94 = tpu.matmul %max3A_89, %get3A_92, %dot_general3A_93 {dimension_numbers = #tpu.dot_dimension_numbers<[1], [0], [0], [1], [0, 0, 1, 1], [], []>, transpose_lhs_hint = false} : vector<512x512xf32>, vector<512x256xf32>, vector<512x256xf32> -> vector<512x256xf32>
    %get3A_95 = arith.constant 0 : index
    %get3A_96 = arith.constant 0 : index
    %get3A_97 = vector.load %arg14[%get3A_95, %get3A_96] : memref<1x256xf32, #tpu.memory_space<vmem>>, vector<1x256xf32>
    %add3A_98 = vector.broadcast %get3A_97 : vector<1x256xf32> to vector<512x256xf32>
    %add3A_99 = arith.addf %dot_general3A_94, %add3A_98 : vector<512x256xf32>
    %swap3A_100 = arith.constant 0 : index
    %swap3A_101 = arith.constant 0 : index
    %swap3A_102 = vector.load %arg15[%swap3A_100, %swap3A_101] : memref<512x256xf32, #tpu.memory_space<vmem>>, vector<512x256xf32>
    tpu.vector_store %arg15[%swap3A_100, %swap3A_101], %add3A_99 {strides = array<i32>} : memref<512x256xf32, #tpu.memory_space<vmem>>, vector<512x256xf32>,
    return
  }
  func.func @transform_0(%arg0: i32) -> (i32, i32) {
    %c0_i32 = arith.constant 0 : i32
    %c0_i32_0 = arith.constant 0 : i32
    return %arg0, %c0_i32 : i32, i32
  }
  func.func @transform_1(%arg0: i32) -> (i32, i32) {
    %c0_i32 = arith.constant 0 : i32
    %c0_i32_0 = arith.constant 0 : i32
    %c0_i32_1 = arith.constant 0 : i32
    return %c0_i32, %c0_i32_0 : i32, i32
  }
  func.func @transform_2(%arg0: i32) -> (i32, i32) {
    %c0_i32 = arith.constant 0 : i32
    %c0_i32_0 = arith.constant 0 : i32
    %c0_i32_1 = arith.constant 0 : i32
    return %c0_i32, %c0_i32_0 : i32, i32
  }
  func.func @transform_3(%arg0: i32) -> (i32, i32) {
    %c0_i32 = arith.constant 0 : i32
    %c0_i32_0 = arith.constant 0 : i32
    %c0_i32_1 = arith.constant 0 : i32
    return %c0_i32, %c0_i32_0 : i32, i32
  }
  func.func @transform_4(%arg0: i32) -> (i32, i32) {
    %c0_i32 = arith.constant 0 : i32
    %c0_i32_0 = arith.constant 0 : i32
    %c0_i32_1 = arith.constant 0 : i32
    return %c0_i32, %c0_i32_0 : i32, i32
  }
  func.func @transform_5(%arg0: i32) -> (i32, i32) {
    %c0_i32 = arith.constant 0 : i32
    %c0_i32_0 = arith.constant 0 : i32
    %c0_i32_1 = arith.constant 0 : i32
    return %c0_i32, %c0_i32_0 : i32, i32
  }
  func.func @transform_6(%arg0: i32) -> (i32, i32) {
    %c0_i32 = arith.constant 0 : i32
    %c0_i32_0 = arith.constant 0 : i32
    %c0_i32_1 = arith.constant 0 : i32
    return %c0_i32, %c0_i32_0 : i32, i32
  }
  func.func @transform_7(%arg0: i32) -> (i32, i32) {
    %c0_i32 = arith.constant 0 : i32
    %c0_i32_0 = arith.constant 0 : i32
    %c0_i32_1 = arith.constant 0 : i32
    return %c0_i32, %c0_i32_0 : i32, i32
  }
  func.func @transform_8(%arg0: i32) -> (i32, i32) {
    %c0_i32 = arith.constant 0 : i32
    %c0_i32_0 = arith.constant 0 : i32
    %c0_i32_1 = arith.constant 0 : i32
    return %c0_i32, %c0_i32_0 : i32, i32
  }
  func.func @transform_9(%arg0: i32) -> (i32, i32) {
    %c0_i32 = arith.constant 0 : i32
    %c0_i32_0 = arith.constant 0 : i32
    %c0_i32_1 = arith.constant 0 : i32
    return %c0_i32, %c0_i32_0 : i32, i32
  }
  func.func @transform_10(%arg0: i32) -> (i32, i32) {
    %c0_i32 = arith.constant 0 : i32
    %c0_i32_0 = arith.constant 0 : i32
    %c0_i32_1 = arith.constant 0 : i32
    return %c0_i32, %c0_i32_0 : i32, i32
  }
  func.func @transform_11(%arg0: i32) -> (i32, i32) {
    %c0_i32 = arith.constant 0 : i32
    %c0_i32_0 = arith.constant 0 : i32
    %c0_i32_1 = arith.constant 0 : i32
    return %c0_i32, %c0_i32_0 : i32, i32
  }
  func.func @transform_12(%arg0: i32) -> (i32, i32) {
    %c0_i32 = arith.constant 0 : i32
    %c0_i32_0 = arith.constant 0 : i32
    %c0_i32_1 = arith.constant 0 : i32
    return %c0_i32, %c0_i32_0 : i32, i32
  }
  func.func @transform_13(%arg0: i32) -> (i32, i32) {
    %c0_i32 = arith.constant 0 : i32
    %c0_i32_0 = arith.constant 0 : i32
    %c0_i32_1 = arith.constant 0 : i32
    return %c0_i32, %c0_i32_0 : i32, i32
  }
  func.func @transform_14(%arg0: i32) -> (i32, i32) {
    %c0_i32 = arith.constant 0 : i32
    %c0_i32_0 = arith.constant 0 : i32
    return %arg0, %c0_i32 : i32, i32
  }
  func.func @transform_15(%arg0: i32) -> (i32, i32) {
    %c0_i32 = arith.constant 0 : i32
    %c0_i32_0 = arith.constant 0 : i32
    return %arg0, %c0_i32 : i32, i32
  }
  func.func @transform_16(%arg0: i32) -> (i32, i32) {
    %c0_i32 = arith.constant 0 : i32
    %c0_i32_0 = arith.constant 0 : i32
    return %c0_i32, %arg0 : i32, i32
  }
}

</mosaic_0001>

<sc_bundles>
// kernel: kernel.4.cloned.1.call-start
scs
__scs_entry_jumppad:
0x0: {  	(pc) =	sbr.rel $0x88, $3  }
0x1: {  	(tag) =	ssettag $0x0;
	lr =	simm.s32 $0x1  }
0x2: {  	[smem:$0x3F93] =	sst lr;
	_ =	strace $0xD0000000  }
0x3: {  	_ = 	snop  }
0x4: {  	_ = 	snop  }
0x5: {  	_ = 	snop  }
0x6: {  	_ = 	snop  }
0x7: {  	_ = 	snop  }
__scs_overlays_trampoline_lowered:
0x8: {  	[smem:$0x3FA2] =	sst s0  }
0x9: {  	[smem:$0x3FA3] =	sst s1  }
0xa: {  	[smem:$0x3FA4] =	sst s2  }
0xb: {  	[smem:$0x3FA5] =	sst s3  }
0xc: {  	[smem:$0x3FA6] =	sst s4  }
0xd: {  	[smem:$0x3FA7] =	sst s5  }
0xe: {  	[smem:$0x3FA8] =	sst s6  }
0xf: {  	[smem:$0x3FA9] =	sst s7  }
0x10: {  	[smem:$0x3FAA] =	sst s8  }
0x11: {  	[smem:$0x3FAB] =	sst s9;
	s0 =	simm.s32 @!p0 $0x0  }
0x12: {  	s1 =	sld [smem:$0x3F91];
	s0 =	simm.s32 @p0 $0x1  }
0x13: {  	[smem:$0x3FAC] =	sst s0;
	s0 =	simm.s32 @!p1 $0x0  }
0x14: {  	s2 =	sld [smem:$0x3F90];
	s0 =	simm.s32 @p1 $0x1  }
0x15: {  	[smem:$0x3FAD] =	sst s0;
	s0 =	simm.s32 @!p2 $0x0  }
0x16: {  	s3 =	sld [smem:$0x3FDB];
	s0 =	simm.s32 @p2 $0x1  }
0x17: {  	s4 =	simm.s32 $0x1BF5;
	[smem:$0x3FAF] =	sst s0  }
0x18: {  	s0 =	sld [smem:$0x3F92];
	_ =	swait.ge [sflag:s4], $0x0  }
0x19: {  	s7 =	sld [smem:$0x3F93]  }
0x1a: {  	s8 =	sadd.s32 $0xFFFFE003, lr  }
0x1b: {  	s9 =	sadd.s32 $0xFFFFFEF7, lr;
	s5 =	simm.s32 $0xFFFFFFFF;
	p2 =	slt.u32 s8, $0xFFFFF086  }
0x1c: {  	p1 =	slt.u32 s9, $0xF7A;
	s5 =	simm.s32 @!p2 $0x0  }
0x1d: {  	s5 =	simm.s32 @p1 $0x1;
	p0 =	seq.s32 s7, s2  }
0x1e: {  	s7 =	smul.u32 @!p0 $0xF7A, s2;
	p2 =	seq.s32 @!p0 s5, $0x0  }
0x1f: {  	s9 =	smul.u32 $0xF7A, s1;
	s8 =	simm.s32 @!p0 $0x1BF5;
	p2 =	por !p2, p0  }
0x20: {  	[sflag:s8] =	ssyncset.s32 @!p0 $0xFFFFF086;
	s6 =	sadd.s32 @!p0 s3, s7;
	s7 =	simm.s32 @!p0 $0x108  }
0x21: {  	s3 =	sadd.s32 s3, s9;
	s6 =	sadd.s32 @!p0 $0x88, s6;
	s7 =	simm.s32 @p2 $0x1082  }
0x22: {  	[simem:s7], [sflag:s8] =	dma.local @!p0 [hbm:s6], $0xF7A  }
0x23: {  	s9 =	sor.u32 $0xD0000000, s2;
	s6 =	simm.s32 $0x108;
	_ =	swait.ge @!p0 [sflag:s8], $0x0  }
0x24: {  	s3 =	sadd.s32 $0x88, s3;
	s6 =	simm.s32 @!p1 $0x1082;
	[sflag:s4] =	ssyncset.s32 $0xFFFFF086  }
0x25: {  	[simem:s6], [sflag:s4] =	dma.local [hbm:s3], $0xF7A  }
0x26: {  	[smem:$0x3F93] =	sst s1;
	(tag) =	ssettag s2;
	_ =	strace s9  }
0x27: {  	s1 =	sld [smem:$0x3FA3]  }
0x28: {  	s2 =	sld [smem:$0x3FA4]  }
0x29: {  	s4 =	sld [smem:$0x3FA6]  }
0x2a: {  	p0 =	seq.s32 s5, $0x0;
	s5 =	sld [smem:$0x3FA7]  }
0x2b: {  	s6 =	sld [smem:$0x3FA8]  }
0x2c: {  	s7 =	sld [smem:$0x3FA9]  }
0x2d: {  	s3 =	simm.s32 $0x108;
	s8 =	sld [smem:$0x3FAA]  }
0x2e: {  	s3 =	simm.s32 @!p0 $0x1082;
	s9 =	sld [smem:$0x3FAB]  }
0x2f: {  	lr =	sadd.s32 s0, s3;
	s0 =	sld [smem:$0x3FA2]  }
0x30: {  	s3 =	sld [smem:$0x3FA5]  }
0x31: {  	[smem:$0x3FAE] =	sst s10  }
0x32: {  	s10 =	sld [smem:$0x3FAC];
	_ =	sdelay $0x3  }
0x33: {  	p0 =	seq.s32 s10, $0x1;
	s10 =	sld [smem:$0x3FAE];
	_ =	sdelay $0x3  }
0x34: {  	[smem:$0x3FAE] =	sst s10  }
0x35: {  	s10 =	sld [smem:$0x3FAD];
	_ =	sdelay $0x3  }
0x36: {  	p1 =	seq.s32 s10, $0x1;
	s10 =	sld [smem:$0x3FAE];
	_ =	sdelay $0x3  }
0x37: {  	[smem:$0x3FAE] =	sst s10  }
0x38: {  	s10 =	sld [smem:$0x3FAF]  }
0x39: {  	_ = 	snop;
	(pc) =	sbr.ind lr, $3  }
0x3a: {  	_ = 	snop  }
0x3b: {  	_ = 	snop  }
0x3c: {  	p2 =	seq.s32 s10, $0x1;
	s10 =	sld [smem:$0x3FAE]  }
0x3d: {  	_ =	shalt  }
0x3e: {  	_ =	shalt  }
0x3f: {  	_ =	shalt  }
0x40: {  	_ =	shalt  }
0x41: {  	_ =	shalt  }
0x42: {  	_ =	shalt  }
0x43: {  	_ =	shalt  }
0x44: {  	_ =	shalt  }
0x45: {  	_ =	shalt  }
0x46: {  	_ =	shalt  }
0x47: {  	_ =	shalt  }
0x48: {  	_ =	shalt  }
0x49: {  	_ =	shalt  }
0x4a: {  	_ =	shalt  }
0x4b: {  	_ =	shalt  }
0x4c: {  	_ =	shalt  }
0x4d: {  	_ =	shalt  }
0x4e: {  	_ =	shalt  }
0x4f: {  	_ =	shalt  }
0x50: {  	_ =	shalt  }
0x51: {  	_ =	shalt  }
0x52: {  	_ =	shalt  }
0x53: {  	_ =	shalt  }
0x54: {  	_ =	shalt  }
0x55: {  	_ =	shalt  }
0x56: {  	_ =	shalt  }
0x57: {  	_ =	shalt  }
0x58: {  	_ =	shalt  }
0x59: {  	_ =	shalt  }
0x5a: {  	_ =	shalt  }
0x5b: {  	_ =	shalt  }
0x5c: {  	_ =	shalt  }
0x5d: {  	_ =	shalt  }
0x5e: {  	_ =	shalt  }
0x5f: {  	_ =	shalt  }
0x60: {  	_ =	shalt  }
0x61: {  	_ =	shalt  }
0x62: {  	_ =	shalt  }
0x63: {  	_ =	shalt  }
0x64: {  	_ =	shalt  }
0x65: {  	_ =	shalt  }
0x66: {  	_ =	shalt  }
0x67: {  	_ =	shalt  }
0x68: {  	_ =	shalt  }
0x69: {  	_ =	shalt  }
0x6a: {  	_ =	shalt  }
0x6b: {  	_ =	shalt  }
0x6c: {  	_ =	shalt  }
0x6d: {  	_ =	shalt  }
0x6e: {  	_ =	shalt  }
0x6f: {  	_ =	shalt  }
0x70: {  	_ =	shalt  }
0x71: {  	_ =	shalt  }
0x72: {  	_ =	shalt  }
0x73: {  	_ =	shalt  }
0x74: {  	_ =	shalt  }
0x75: {  	_ =	shalt  }
0x76: {  	_ =	shalt  }
0x77: {  	_ =	shalt  }
0x78: {  	_ =	shalt  }
0x79: {  	_ =	shalt  }
0x7a: {  	_ =	shalt  }
0x7b: {  	_ =	shalt  }
0x7c: {  	_ =	shalt  }
0x7d: {  	_ =	shalt  }
0x7e: {  	_ =	shalt  }
0x7f: {  	_ =	shalt  }
0x80: {  	_ =	shalt  }
0x81: {  	_ =	shalt  }
0x82: {  	_ =	shalt  }
0x83: {  	_ =	shalt  }
0x84: {  	_ =	shalt  }
0x85: {  	_ =	shalt  }
0x86: {  	_ =	shalt  }
0x87: {  	_ =	shalt  }
.Lfunc_end0:
.L_simem_size_0:
called_computation_lowered:
.L_overlay_start_0:
0x88: {  	s2 =	sld [smem:$0x3FD9]  }
0x89: {  	s3 =	sld [smem:$0x3FFE];
	_ =	sdelay $0x1  }
0x8a: {  	s1 =	srdreg.scid  }
0x8b: {  	s0 =	sand.u32 $0x1, s1  }
0x8c: {  	s14 =	sshll.u32 s0, $0xA;
	s2 =	sadd.s32 s3, s2  }
0x8d: {  	s2 =	sadd.s32 s2, s14  }
0x8e: {  	[smem:$0x3FBA] =	sst s2  }
0x8f: {  	_ = 	snop  }
0x90: {  	s2 =	sld [smem:$0x3FD0];
	_ =	sdelay $0x2  }
0x91: {  	s15 =	simm.s32 $0xA;
	s4 =	simm.s32 $0x10  }
0x92: {  	[smem:s4], [sflag:s15] =	dma.local [hbm:s2], $0x1  }
0x93: {  	_ =	swait.eq [sflag:s15], $0x1  }
0x94: {  	[sflag:s15] =	ssyncset.done $0x0  }
0x95: {  	[sflag:s15] =	ssyncadd.s32 $0xFFFFFFFF  }
0x96: {  	s16 =	sld [smem:$0x12];
	(tm) =	ssettm $0x1  }
0x97: {  	s17 =	sld [smem:$0x3FFB];
	_ =	sdelay $0x3  }
0x98: {  	_ =	strace s17  }
0x99: {  	s3 =	sld [smem:$0x3FFC];
	_ =	sdelay $0x3  }
0x9a: {  	_ =	strace s3  }
0x9b: {  	s3 =	sld [smem:$0x3FFD];
	_ =	sdelay $0x3  }
0x9c: {  	_ =	strace s3  }
0x9d: {  	_ =	strace $0x8FFFFFFF  }
0x9e: {  	s18 =	sld [smem:$0x3FDB];
	_ =	sdelay $0x1  }
0x9f: {  	s19 =	simm.s32 $_scs_section_size  }
0xa0: {  	s5 =	simm.s32 $_size__tile_overlayer_lowered;
	s6 =	simm.s32 $_tile_overlayer_lowered  }
0xa1: {  	s22 =	simm.s32 $0x1BFF;
	s21 =	sshll.u32 s6, $0x1;
	s3 =	sadd.s32 s19, s18  }
0xa2: {  	s7 =	simm.s32 $0x0;
	s20 =	sshll.u32 s5, $0x1;
	s5 =	sadd.s32 s21, s3  }
0xa3: {  	[timem:s7], [sflag:s22] =	dma.local [hbm:s5], s20  }
0xa4: {  	_ =	swait.ge [sflag:s22], s20  }
0xa5: {  	s4 =	ssub.s32 $0x0, s20;
	[sflag:s22] =	ssyncset.done $0x0  }
0xa6: {  	[sflag:s22] =	ssyncadd.s32 s4;
	_ =	sdelay $0x1  }
0xa7: {  	s23 =	simm.s32 $0x1B8B  }
0xa8: {  	_ =	swait.ge [sflag:s23], $0x1  }
0xa9: {  	[sflag:s23] =	ssyncset.done $0x0  }
0xaa: {  	s25 =	simm.s32 $0x1B8E;
	s24 =	sld [smem:$0x3FFE];
	[sflag:s23] =	ssyncadd.s32 $0xFFFFFFFF  }
0xab: {  	s26 =	simm.s32 $execute0_lowered;
	[smem:$0x3FD2] =	sst s25  }
0xac: {  	s5 =	sshll.u32 s26, $0x1;
	_ =	strace $0x80000046;
	[dreg:$0x1] =	wrdreg $0xFFFFFFFF  }
0xad: {  	s28 =	simm.s32 $_size_execute0_lowered;
	s3 =	sadd.s32 s3, s5;
	[dreg:$0x0] =	wrdreg $0x0  }
0xae: {  	s5 =	sshll.u32 s28, $0x1;
	[dreg:$0x2] =	wrdreg s3  }
0xaf: {  	[dreg:$0x3] =	wrdreg s5  }
0xb0: {  	[dreg:$0x4] =	wrdreg $0xC0  }
0xb1: {  	_ =	task [dreg:s7], $0x5FFFF  }
0xb2: {  	[dreg:$0x1] =	wrdreg $0xFFFFFFFF  }
0xb3: {  	[dreg:$0x0] =	wrdreg $0x60  }
0xb4: {  	[dreg:$0x2] =	wrdreg s16  }
0xb5: {  	[dreg:$0x3] =	wrdreg s24  }
0xb6: {  	[dreg:$0x4] =	wrdreg $0x9  }
0xb7: {  	_ =	task.clear_ibuf [dreg:s7], $0x5FFFF;
	_ =	strace $0x90000046  }
0xb8: {  	s29 =	simm.s32 $0x9;
	_ =	strace $0x80000048  }
0xb9: {  	_ =	swait.ge [sflag:s29], $0x1  }
0xba: {  	[sflag:s29] =	ssyncadd.s32 $0xFFFFFFFF  }
0xbb: {  	_ =	strace $0x90000048  }
0xbc: {  	_ =	sfence  }
0xbd: {  	s30 =	sld [smem:$0x0];
	_ =	sdelay $0x2  }
0xbe: {  	s31 =	sshll.u32 s1, $0xD;
	s1 =	sshrl.u32 s1, $0x2  }
0xbf: {  	s3 =	sand.u32 $0x4000, s31;
	s1 =	sadd.s32 s1, s30  }
0xc0: {  	s0 =	sor.u32 s3, s0;
	s1 =	sshll.u32 s1, $0x11  }
0xc1: {  	s0 =	sor.u32 s1, s0  }
0xc2: {  	s0 =	sadd.s32 $0x8F2B, s0  }
0xc3: {  	[sflag:s0] =	ssyncadd.remote.s32 $0x1  }
0xc4: {  	_ =	sfence.sel $0xFFFF  }
0xc5: {  	[dreg:$0x0] =	wrdreg $0xFFFFFFFF;
	(pc) =	sbr.abs _section_cstart, $3  }
0xc6: {  	[dreg:$0x1] =	wrdreg $0xFFFFFFFF  }
0xc7: {  	_ =	task.clear_ibuf [dreg:s7], $0x2FFFF;
	_ =	strace $0x9FFFFFFF  }
0xc8: {  	(tm) =	ssettm $0x7FFFFFFF  }
0xc9: {  	_ =	shalt  }
tec
execute0_lowered:
.L_overlay_start_1:
0x0: {  	(tag) =	ssettag $0x1  }
0x1: {  	s1 =	srdreg.scid  }
0x2: {  	s2 =	rddreg [dreg:$0x0];
	s0 =	stileid.u32;
	s10 =	sand.u32 $0x1, s1  }
0x3: {  	s8 =	rddreg [dreg:$0x1];
	s4 =	sshll.u32 s0, $0xB;
	s5 =	sshll.u32 s10, $0xA  }
0x4: {  	s3 =	simm.s32 $0x0;
	s1 =	rddreg [dreg:$0x2];
	s9 =	sor.u32 s5, s4  }
0x5: {  	[smem:$0x7FF] =	sst s3;
	s11 =	sadd.s32 $0x82000, s8;
	s4 =	sshrl.u32 s9, $0x3  }
0x6: {  	_ =	strace $0x80000047;
	s5 =	sadd.s32 s11, s4;
	s4 =	simm.s32 $0x2  }
0x7: {  	[tilespmem:s3], [sflag:$0x2] =	stream.linear.gather [hbm4b:s5+s3], $0x200, $0x38;
	[tilespmem:$0x10200] =	vst v63  }
0x8: {  	_ =	swait.ge [sflag:s4], $0x200  }
0x9: {  	[sflag:s4] =	ssyncset.done $0x0  }
0xa: {  	s6 =	simm.s32 $0x200;
	s7 =	simm.s32 $0x1;
	[sflag:s4] =	ssyncadd.s32 $0xFFFFFE00  }
0xb: {  	[tilespmem:s6], [sflag:$0x1] =	stream.indirect.gather [hbm4b:s2+s6], $0x80, s3, s6, $0xb8;
	[tilespmem:$0x10200] =	vst v63  }
0xc: {  	_ =	swait.ge [sflag:s7], $0x10000  }
0xd: {  	s12 =	sadd.s32 $0x83000, s8;
	s29 =	sshll.u32 s9, $0x4;
	[sflag:s7] =	ssyncset.done $0x0  }
0xe: {  	s8 =	sadd.s32 s12, s29;
	[sflag:s7] =	ssyncadd.s32 $0xFFFF0000  }
0xf: {  	[hbm4b:s8+s3] =	stream.linear.scatter [tilespmem:s6], [sflag:$0x2], $0x10000, $0x38;
	[tilespmem:$0x10200] =	vst v63  }
0x10: {  	s13 =	sor.u32 $0x200, s9;
	_ =	swait.ge [sflag:s4], $0x10000  }
0x11: {  	s9 =	sshrl.u32 s13, $0x3;
	[sflag:s4] =	ssyncset.done $0x0  }
0x12: {  	s10 =	ssub.s32 $0x2, s10;
	s9 =	sadd.s32 s11, s9;
	[sflag:s4] =	ssyncadd.s32 $0xFFFF0000  }
0x13: {  	[tilespmem:s3], [sflag:$0x2] =	stream.linear.gather [hbm4b:s9+s3], $0x200, $0x38;
	[tilespmem:$0x10200] =	vst v63  }
0x14: {  	s30 =	sshrl.u32 s10, $0x1;
	_ =	swait.ge [sflag:s4], $0x200  }
0x15: {  	s11 =	ssub.s32 s10, s30;
	[sflag:s4] =	ssyncset.done $0x0  }
0x16: {  	s11 =	smax.u32 s11, $0x1;
	[sflag:s4] =	ssyncadd.s32 $0xFFFFFE00  }
0x17: {  	[tilespmem:s6], [sflag:$0x1] =	stream.indirect.gather [hbm4b:s2+s6], $0x80, s3, s6, $0xb8;
	[tilespmem:$0x10200] =	vst v63  }
0x18: {  	p0 =	sne.s32 s11, $0x1;
	_ =	swait.ge [sflag:s7], $0x10000  }
.Ltmp0:
0x19: {  	s31 =	sshll.u32 s13, $0x4;
	[sflag:s7] =	ssyncset.done $0x0;
	(pc) =	sbr.rel @!p0 .LBB2_2-.Ltmp0, $4  }
0x1a: {  	s10 =	sadd.s32 s12, s31;
	[sflag:s7] =	ssyncadd.s32 $0xFFFF0000  }
0x1b: {  	[hbm4b:s10+s3] =	stream.linear.scatter [tilespmem:s6], [sflag:$0x2], $0x10000, $0x38;
	[tilespmem:$0x10200] =	vst v63  }
0x1c: {  	_ =	swait.ge [sflag:s4], $0x10000  }
0x1d: {  	s11 =	sadd.s32 $0xFFFFFFFF, s11;
	[sflag:s4] =	ssyncset.done $0x0  }
.LBB2_1:
0x1e: {  	p0 =	sne.s32 s11, $0x1;
	s11 =	sadd.s32 $0xFFFFFFFF, s11;
	[sflag:s4] =	ssyncadd.s32 $0xFFFF0000  }
0x1f: {  	[tilespmem:s3], [sflag:$0x2] =	stream.linear.gather [hbm4b:s5+s3], $0x200, $0x38;
	[tilespmem:$0x10200] =	vst v63  }
0x20: {  	_ =	swait.ge [sflag:s4], $0x200  }
0x21: {  	[sflag:s4] =	ssyncset.done $0x0  }
0x22: {  	[sflag:s4] =	ssyncadd.s32 $0xFFFFFE00  }
0x23: {  	[tilespmem:s6], [sflag:$0x1] =	stream.indirect.gather [hbm4b:s2+s6], $0x80, s3, s6, $0xb8;
	[tilespmem:$0x10200] =	vst v63  }
0x24: {  	_ =	swait.ge [sflag:s7], $0x10000  }
0x25: {  	[sflag:s7] =	ssyncset.done $0x0  }
0x26: {  	[sflag:s7] =	ssyncadd.s32 $0xFFFF0000  }
0x27: {  	[hbm4b:s8+s3] =	stream.linear.scatter [tilespmem:s6], [sflag:$0x2], $0x10000, $0x38;
	[tilespmem:$0x10200] =	vst v63  }
0x28: {  	_ =	swait.ge [sflag:s4], $0x10000  }
0x29: {  	[sflag:s4] =	ssyncset.done $0x0  }
0x2a: {  	[sflag:s4] =	ssyncadd.s32 $0xFFFF0000  }
0x2b: {  	[tilespmem:s3], [sflag:$0x2] =	stream.linear.gather [hbm4b:s9+s3], $0x200, $0x38;
	[tilespmem:$0x10200] =	vst v63  }
0x2c: {  	_ =	swait.ge [sflag:s4], $0x200  }
0x2d: {  	[sflag:s4] =	ssyncset.done $0x0  }
0x2e: {  	[sflag:s4] =	ssyncadd.s32 $0xFFFFFE00  }
0x2f: {  	[tilespmem:s6], [sflag:$0x1] =	stream.indirect.gather [hbm4b:s2+s6], $0x80, s3, s6, $0xb8;
	[tilespmem:$0x10200] =	vst v63  }
0x30: {  	_ =	swait.ge [sflag:s7], $0x10000  }
.Ltmp1:
0x31: {  	[sflag:s7] =	ssyncset.done $0x0;
	(pc) =	sbr.rel @p0 .LBB2_1-.Ltmp1, $4  }
0x32: {  	[sflag:s7] =	ssyncadd.s32 $0xFFFF0000  }
0x33: {  	[hbm4b:s10+s3] =	stream.linear.scatter [tilespmem:s6], [sflag:$0x2], $0x10000, $0x38;
	[tilespmem:$0x10200] =	vst v63  }
0x34: {  	_ =	swait.ge [sflag:s4], $0x10000  }
0x35: {  	[sflag:s4] =	ssyncset.done $0x0  }
.LBB2_2:
0x36: {  	[sflag:s4] =	ssyncadd.s32 $0xFFFF0000  }
0x37: {  	_ =	sfence.sel $0x180000  }
0x38: {  	[bflag:$0x0] =	sbarrier.arrive $0xFFFF  }
0x39: {  	p0 =	sne.s32 s0, $0x0;
	_ =	strace $0x90000047  }
0x3a: {  	s0 =	sadd.s32 @!p0 $0x100000, s1;
	[bflag:$0x2] =	sbarrier.arrive $0xFFFF  }
0x3b: {  	[sflag:s0] =	ssyncadd.tile.s32 @!p0 $0x1;
	_ =	shalt  }
.Lfunc_end2:
_tile_overlayer_lowered:
.L_overlay_start_2:
0x3c: {  	(tag) =	ssettag $0x2  }
0x3d: {  	s0 =	rddreg [dreg:$0x0];
	s2 =	stileid.u32  }
0x3e: {  	s1 =	rddreg [dreg:$0x1];
	p0 =	sne.s32 s2, $0x0  }
0x3f: {  	s3 =	rddreg [dreg:$0x2];
	[bflag:$0x3] =	sbarrier.arrive $0xFFFF;
	s2 =	simm.s32 @!p0 $0x1C02  }
0x40: {  	[timem:s3], [sflag:s2] =	dma.local @!p0 [hbm:s0], s1  }
0x41: {  	s0 =	simm.s32 @!p0 $0x2  }
0x42: {  	_ =	swait.ge @!p0 [sflag:s0], s1  }
0x43: {  	s1 =	ssub.s32 @!p0 $0x0, s1;
	[sflag:s0] =	ssyncset.done @!p0 $0x0  }
0x44: {  	[sflag:s0] =	ssyncadd.s32 @!p0 s1  }
0x45: {  	[bflag:$0x3] =	sbarrier.arrive $0xFFFF  }
0x46: {  	_ =	shalt  }

</sc_bundles>
